<compile_context>
chip_gen: v7x
topology: tpu7x:2x2x1
jax: 0.10.2.dev20260603
libtpu: 0.0.44.dev20260713+nightly
codegen_flags: <defaults>
</compile_context>

<pallas_src>
import functools

import jax
import jax.numpy as jnp
from jax import lax
from jax.experimental import pallas as pl
from jax.experimental.pallas import tpu as pltpu
from jax.experimental.pallas import tpu_sc as plsc

N_NODES = 10000
N_EDGES = 320000
D_EDGE = 16
D_NODE = 128

NUM_CORES = 2
NUM_TILES = 16
NW = NUM_CORES * NUM_TILES
E_PER_TILE = N_EDGES // NW
GROUP = 2000
GROUPS = E_PER_TILE // GROUP
CHUNK = 125
CH_PER_GROUP = GROUP // CHUNK
CH_PER_TILE = GROUPS * CH_PER_GROUP
ACC_ROWS = 10240
STRIPE = ACC_ROWS // NUM_TILES


def _sc_segment_sum(edge_features, idx3, zeros):
  mesh = plsc.VectorSubcoreMesh(
      core_axis_name="c", subcore_axis_name="s",
      num_cores=NUM_CORES, num_subcores=NUM_TILES)

  @functools.partial(
      pl.kernel,
      out_type=jax.ShapeDtypeStruct((NUM_CORES, ACC_ROWS, D_EDGE), jnp.float32),
      mesh=mesh,
      scratch_types=[
          pltpu.VMEM((GROUP, D_EDGE), jnp.float32),
          pltpu.VMEM((GROUP, D_EDGE), jnp.float32),
          pltpu.VMEM((GROUP,), jnp.int32),
          pltpu.VMEM((GROUP,), jnp.int32),
          pltpu.VMEM_SHARED((ACC_ROWS, D_EDGE), jnp.float32),
          pltpu.SemaphoreType.DMA,
          pltpu.SemaphoreType.DMA,
          pltpu.SemaphoreType.DMA,
          pltpu.SemaphoreType.DMA,
          pltpu.SemaphoreType.DMA,
          pltpu.SemaphoreType.DMA,
      ],
      compiler_params=pltpu.CompilerParams(use_tc_tiling_on_sc=False),
  )
  def body(feat_hbm, idx_hbm, zero_hbm, out_hbm, f0, f1, i0, i1, acc_sh,
           sf0, sf1, si0, si1, ss0, ss1):
    c = lax.axis_index("c")
    s = lax.axis_index("s")
    wid = c * NUM_TILES + s
    fb, ib = (f0, f1), (i0, i1)
    sf, si, ss = (sf0, sf1), (si0, si1), (ss0, ss1)

    def start_stage(g):
      off = wid * E_PER_TILE + g * GROUP
      return (pltpu.async_copy(feat_hbm.at[wid * GROUPS + g], fb[g % 2],
                               sf[g % 2]),
              pltpu.async_copy(idx_hbm.at[pl.ds(off, GROUP)], ib[g % 2],
                               si[g % 2]))

    stage = {0: start_stage(0)}
    pltpu.sync_copy(zero_hbm.at[pl.ds(s * STRIPE, STRIPE)],
                    acc_sh.at[pl.ds(s * STRIPE, STRIPE)])
    plsc.subcore_barrier()

    scat = {}
    for g in range(GROUPS):
      cf, ci = stage[g]
      cf.wait()
      ci.wait()
      scat[g] = pltpu.async_copy(fb[g % 2], acc_sh.at[ib[g % 2]], ss[g % 2],
                                 add=True)
      if g + 1 < GROUPS:
        if g >= 1:
          scat[g - 1].wait()
        stage[g + 1] = start_stage(g + 1)
    scat[GROUPS - 2].wait()
    scat[GROUPS - 1].wait()
    plsc.subcore_barrier()
    pltpu.sync_copy(acc_sh.at[pl.ds(s * STRIPE, STRIPE)],
                    out_hbm.at[c, pl.ds(s * STRIPE, STRIPE)])

  return body(edge_features, idx3, zeros)


def _tc_combine(partials, W):
  BR = 1000

  def body(p0_ref, p1_ref, w_ref, o_ref):
    p = p0_ref[0] + p1_ref[0]
    o_ref[...] = lax.dot_general(
        p, w_ref[...], (((1,), (1,)), ((), ())),
        preferred_element_type=jnp.float32)

  return pl.pallas_call(
      body,
      grid=(N_NODES // BR,),
      in_specs=[
          pl.BlockSpec((1, BR, D_EDGE), lambda i: (0, i, 0)),
          pl.BlockSpec((1, BR, D_EDGE), lambda i: (1, i, 0)),
          pl.BlockSpec((D_NODE, D_EDGE), lambda i: (0, 0)),
      ],
      out_specs=pl.BlockSpec((BR, D_NODE), lambda i: (i, 0)),
      out_shape=jax.ShapeDtypeStruct((N_NODES, D_NODE), jnp.float32),
  )(partials, partials, W)


def kernel(edge_features, edge_index, num_nodes, W):
  zeros = jnp.zeros((ACC_ROWS, D_EDGE), jnp.float32)
  feat_wide = lax.optimization_barrier(
      edge_features.reshape(N_EDGES * D_EDGE // 128, 128))
  feat3 = feat_wide.reshape(NW * GROUPS, GROUP, D_EDGE)
  row = edge_index[0].astype(jnp.int32)
  partials = _sc_segment_sum(feat3, row, zeros)
  return _tc_combine(partials, W)

# --- scband reference (transcript-rebuilt; emitter-appended) ---
"""Pipeline reference for scband-edge-to-node-aggregation-layer-59184649339043 (READ-ONLY COPY).

The authoritative reference and input builder live on the scoring server;
editing this copy changes nothing except your own understanding.
"""

import jax, jax.numpy as jnp
import numpy as np

N_NODES = 10000
N_EDGES = 320000
D_EDGE = 16
D_NODE = 128

def setup_inputs(seed: int = 0) -> dict:
    key = jax.random.key(seed)
    k1, k2, k3 = jax.random.split(key, 3)
    edge_features = jax.random.normal(k1, (N_EDGES, D_EDGE), dtype=jnp.float32)
    edge_index = jax.random.randint(k2, (2, N_EDGES), 0, N_NODES, dtype=jnp.int64)
    # Linear(edge_in_channels=16 -> in_channels=128, bias=False): weight shape [out, in]
    bound = 1.0 / np.sqrt(D_EDGE)
    W = jax.random.uniform(k3, (D_NODE, D_EDGE), dtype=jnp.float32, minval=-bound, maxval=bound)
    return {"edge_features": edge_features, "edge_index": edge_index, "num_nodes": N_NODES, "W": W}

def reference(edge_features, edge_index, num_nodes, W):
    # edge_to_node_lin (no bias)
    ef = edge_features @ W.T  # [E, in_channels]
    row = edge_index[0] % num_nodes
    # index_add_ into zeros -> segment sum over destination nodes
    node_features = jax.ops.segment_sum(ef, row, num_segments=N_NODES)
    return node_features

if __name__ == "__main__":
    import jax
    _d = setup_inputs()
    print(jax.jit(kernel)(*tuple(_d.values())))

</pallas_src>

<mosaic_0001>
#map = affine_map<(d0, d1) -> (0, 0, 0)>
#map1 = affine_map<(d0, d1) -> (0)>
#map2 = affine_map<(d0, d1) -> (0, 0)>
module attributes {stable_mosaic.version = 14 : i64} {
  func.func @body(%arg0: i32, %arg1: i32, %arg2: memref<160x2000x16xf32, #tpu.memory_space<hbm>>, %arg3: memref<320000xi32, #tpu.memory_space<hbm>>, %arg4: memref<10240x16xf32, #tpu.memory_space<hbm>>, %arg5: memref<2x10240x16xf32, #tpu.memory_space<hbm>>, %arg6: memref<2000x16xf32, #tpu.memory_space<vmem>>, %arg7: memref<2000x16xf32, #tpu.memory_space<vmem>>, %arg8: memref<2000xi32, #tpu.memory_space<vmem>>, %arg9: memref<2000xi32, #tpu.memory_space<vmem>>, %arg10: memref<10240x16xf32, #tpu.memory_space<vmem_shared>>, %arg11: memref<!tpu.dma_semaphore, #tpu.memory_space<semaphore_mem>>, %arg12: memref<!tpu.dma_semaphore, #tpu.memory_space<semaphore_mem>>, %arg13: memref<!tpu.dma_semaphore, #tpu.memory_space<semaphore_mem>>, %arg14: memref<!tpu.dma_semaphore, #tpu.memory_space<semaphore_mem>>, %arg15: memref<!tpu.dma_semaphore, #tpu.memory_space<semaphore_mem>>, %arg16: memref<!tpu.dma_semaphore, #tpu.memory_space<semaphore_mem>>) attributes {dimension_semantics = [#tpu.dimension_semantics<core_parallel>, #tpu.dimension_semantics<subcore_parallel>], iteration_bounds = array<i64: 2, 16>, scalar_prefetch = 0 : i64, scratch_operands = 11 : i64, tpu.core_type = #tpu.core_type<sc_vector_subcore>, window_params = [{transform_indices = #map}, {transform_indices = #map1}, {transform_indices = #map2}, {transform_indices = #map}]} {
    %mul3A = arith.constant 16 : i32
    %mul3A_0 = arith.muli %arg0, %mul3A : i32
    %add3A = arith.addi %mul3A_0, %arg1 : i32
    %mul3A_1 = arith.constant 10000 : i32
    %mul3A_2 = arith.muli %add3A, %mul3A_1 : i32
    %add3A_3 = arith.constant 0 : i32
    %add3A_4 = arith.addi %mul3A_2, %add3A_3 : i32
    %mul3A_5 = arith.constant 5 : i32
    %mul3A_6 = arith.muli %add3A, %mul3A_5 : i32
    %add3A_7 = arith.constant 0 : i32
    %add3A_8 = arith.addi %mul3A_6, %add3A_7 : i32
    %dma_start3A = arith.constant 0 : i32
    %dma_start3A_9 = arith.constant 0 : i32
    %dma_start3A_10 = tpu.memref_slice %arg2[%add3A_8, %dma_start3A, %dma_start3A_9] : memref<160x2000x16xf32, #tpu.memory_space<hbm>> -> memref<1x2000x16xf32, #tpu.memory_space<hbm>>
    %dma_start3A_11 = tpu.memref_squeeze %dma_start3A_10 : memref<1x2000x16xf32, #tpu.memory_space<hbm>> -> memref<2000x16xf32, #tpu.memory_space<hbm>>
    %dma_start3A_12 = arith.constant 0 : i32
    %dma_start3A_13 = arith.constant 0 : i32
    %dma_start3A_14 = tpu.memref_slice %arg2[%add3A_8, %dma_start3A_12, %dma_start3A_13] : memref<160x2000x16xf32, #tpu.memory_space<hbm>> -> memref<1x2000x16xf32, #tpu.memory_space<hbm>>
    %dma_start3A_15 = tpu.memref_squeeze %dma_start3A_14 : memref<1x2000x16xf32, #tpu.memory_space<hbm>> -> memref<2000x16xf32, #tpu.memory_space<hbm>>
    tpu.enqueue_dma source(%dma_start3A_15 : memref<2000x16xf32, #tpu.memory_space<hbm>>) target(%arg6 : memref<2000x16xf32, #tpu.memory_space<vmem>>) target_semaphore(%arg11 : memref<!tpu.dma_semaphore, #tpu.memory_space<semaphore_mem>>)
    %dma_start3A_16 = tpu.memref_slice %arg3[%add3A_4] : memref<320000xi32, #tpu.memory_space<hbm>> -> memref<2000xi32, #tpu.memory_space<hbm>>
    %dma_start3A_17 = tpu.memref_slice %arg3[%add3A_4] : memref<320000xi32, #tpu.memory_space<hbm>> -> memref<2000xi32, #tpu.memory_space<hbm>>
    tpu.enqueue_dma source(%dma_start3A_17 : memref<2000xi32, #tpu.memory_space<hbm>>) target(%arg8 : memref<2000xi32, #tpu.memory_space<vmem>>) target_semaphore(%arg13 : memref<!tpu.dma_semaphore, #tpu.memory_space<semaphore_mem>>)
    %mul3A_18 = arith.constant 640 : i32
    %mul3A_19 = arith.muli %arg1, %mul3A_18 : i32
    %mul3A_20 = arith.constant 640 : i32
    %mul3A_21 = arith.muli %arg1, %mul3A_20 : i32
    "tpu.region"() ({
      %run_scoped3A = tpu.sem_alloc : memref<!tpu.dma_semaphore, #tpu.memory_space<semaphore_mem>>
      %dma_start3A_178 = arith.constant 0 : i32
      %dma_start3A_179 = tpu.memref_slice %arg10[%mul3A_21, %dma_start3A_178] : memref<10240x16xf32, #tpu.memory_space<vmem_shared>> -> memref<640x16xf32, #tpu.memory_space<vmem_shared>>
      %dma_start3A_180 = arith.constant 0 : i32
      %dma_start3A_181 = tpu.memref_slice %arg4[%mul3A_19, %dma_start3A_180] : memref<10240x16xf32, #tpu.memory_space<hbm>> -> memref<640x16xf32, #tpu.memory_space<hbm>>
      tpu.enqueue_dma source(%dma_start3A_181 : memref<640x16xf32, #tpu.memory_space<hbm>>) target(%dma_start3A_179 : memref<640x16xf32, #tpu.memory_space<vmem_shared>>) target_semaphore(%run_scoped3A : memref<!tpu.dma_semaphore, #tpu.memory_space<semaphore_mem>>)
      %dma_wait3A_182 = arith.constant 0 : i32
      %dma_wait3A_183 = tpu.memref_slice %arg10[%mul3A_21, %dma_wait3A_182] : memref<10240x16xf32, #tpu.memory_space<vmem_shared>> -> memref<640x16xf32, #tpu.memory_space<vmem_shared>>
      %dma_wait3A_184 = arith.constant 0 : i32
      %dma_wait3A_185 = tpu.memref_slice %arg4[%mul3A_19, %dma_wait3A_184] : memref<10240x16xf32, #tpu.memory_space<hbm>> -> memref<640x16xf32, #tpu.memory_space<hbm>>
      tpu.wait_dma2 semaphore(%run_scoped3A : memref<!tpu.dma_semaphore, #tpu.memory_space<semaphore_mem>>) src(%dma_wait3A_185 : memref<640x16xf32, #tpu.memory_space<hbm>>) dst(%dma_wait3A_183 : memref<640x16xf32, #tpu.memory_space<vmem_shared>>)
      tpu.yield
    }) : () -> ()
    %barrier3A = arith.constant 0 : index
    tpu.barrier barrier_id(%barrier3A)
    %dma_wait3A = arith.constant 0 : i32
    %dma_wait3A_22 = arith.constant 0 : i32
    %dma_wait3A_23 = tpu.memref_slice %arg2[%add3A_8, %dma_wait3A, %dma_wait3A_22] : memref<160x2000x16xf32, #tpu.memory_space<hbm>> -> memref<1x2000x16xf32, #tpu.memory_space<hbm>>
    %dma_wait3A_24 = tpu.memref_squeeze %dma_wait3A_23 : memref<1x2000x16xf32, #tpu.memory_space<hbm>> -> memref<2000x16xf32, #tpu.memory_space<hbm>>
    %dma_wait3A_25 = arith.constant 0 : i32
    %dma_wait3A_26 = arith.constant 0 : i32
    %dma_wait3A_27 = tpu.memref_slice %arg2[%add3A_8, %dma_wait3A_25, %dma_wait3A_26] : memref<160x2000x16xf32, #tpu.memory_space<hbm>> -> memref<1x2000x16xf32, #tpu.memory_space<hbm>>
    %dma_wait3A_28 = tpu.memref_squeeze %dma_wait3A_27 : memref<1x2000x16xf32, #tpu.memory_space<hbm>> -> memref<2000x16xf32, #tpu.memory_space<hbm>>
    tpu.wait_dma2 semaphore(%arg11 : memref<!tpu.dma_semaphore, #tpu.memory_space<semaphore_mem>>) src(%dma_wait3A_28 : memref<2000x16xf32, #tpu.memory_space<hbm>>) dst(%arg6 : memref<2000x16xf32, #tpu.memory_space<vmem>>)
    %dma_wait3A_29 = tpu.memref_slice %arg3[%add3A_4] : memref<320000xi32, #tpu.memory_space<hbm>> -> memref<2000xi32, #tpu.memory_space<hbm>>
    %dma_wait3A_30 = tpu.memref_slice %arg3[%add3A_4] : memref<320000xi32, #tpu.memory_space<hbm>> -> memref<2000xi32, #tpu.memory_space<hbm>>
    tpu.wait_dma2 semaphore(%arg13 : memref<!tpu.dma_semaphore, #tpu.memory_space<semaphore_mem>>) src(%dma_wait3A_30 : memref<2000xi32, #tpu.memory_space<hbm>>) dst(%arg8 : memref<2000xi32, #tpu.memory_space<vmem>>)
    %dma_start3A_31 = arith.constant 0 : i32
    %dma_start3A_32 = arith.constant 0 : i32
    %dma_start3A_33 = tpu.memref_slice %arg10[%dma_start3A_31, %dma_start3A_32] : memref<10240x16xf32, #tpu.memory_space<vmem_shared>> -> memref<10240x16xf32, #tpu.memory_space<vmem_shared>>
    tpu.enqueue_indirect_dma source(%arg6 : memref<2000x16xf32, #tpu.memory_space<vmem>>) target(%dma_start3A_33 : memref<10240x16xf32, #tpu.memory_space<vmem_shared>>) offsets(%arg8 : memref<2000xi32, #tpu.memory_space<vmem>>) semaphore(%arg15 : memref<!tpu.dma_semaphore, #tpu.memory_space<semaphore_mem>>) {add = true}
    %mul3A_34 = arith.constant 10000 : i32
    %mul3A_35 = arith.muli %add3A, %mul3A_34 : i32
    %add3A_36 = arith.constant 2000 : i32
    %add3A_37 = arith.addi %mul3A_35, %add3A_36 : i32
    %mul3A_38 = arith.constant 5 : i32
    %mul3A_39 = arith.muli %add3A, %mul3A_38 : i32
    %add3A_40 = arith.constant 1 : i32
    %add3A_41 = arith.addi %mul3A_39, %add3A_40 : i32
    %dma_start3A_42 = arith.constant 0 : i32
    %dma_start3A_43 = arith.constant 0 : i32
    %dma_start3A_44 = tpu.memref_slice %arg2[%add3A_41, %dma_start3A_42, %dma_start3A_43] : memref<160x2000x16xf32, #tpu.memory_space<hbm>> -> memref<1x2000x16xf32, #tpu.memory_space<hbm>>
    %dma_start3A_45 = tpu.memref_squeeze %dma_start3A_44 : memref<1x2000x16xf32, #tpu.memory_space<hbm>> -> memref<2000x16xf32, #tpu.memory_space<hbm>>
    %dma_start3A_46 = arith.constant 0 : i32
    %dma_start3A_47 = arith.constant 0 : i32
    %dma_start3A_48 = tpu.memref_slice %arg2[%add3A_41, %dma_start3A_46, %dma_start3A_47] : memref<160x2000x16xf32, #tpu.memory_space<hbm>> -> memref<1x2000x16xf32, #tpu.memory_space<hbm>>
    %dma_start3A_49 = tpu.memref_squeeze %dma_start3A_48 : memref<1x2000x16xf32, #tpu.memory_space<hbm>> -> memref<2000x16xf32, #tpu.memory_space<hbm>>
    tpu.enqueue_dma source(%dma_start3A_49 : memref<2000x16xf32, #tpu.memory_space<hbm>>) target(%arg7 : memref<2000x16xf32, #tpu.memory_space<vmem>>) target_semaphore(%arg12 : memref<!tpu.dma_semaphore, #tpu.memory_space<semaphore_mem>>)
    %dma_start3A_50 = tpu.memref_slice %arg3[%add3A_37] : memref<320000xi32, #tpu.memory_space<hbm>> -> memref<2000xi32, #tpu.memory_space<hbm>>
    %dma_start3A_51 = tpu.memref_slice %arg3[%add3A_37] : memref<320000xi32, #tpu.memory_space<hbm>> -> memref<2000xi32, #tpu.memory_space<hbm>>
    tpu.enqueue_dma source(%dma_start3A_51 : memref<2000xi32, #tpu.memory_space<hbm>>) target(%arg9 : memref<2000xi32, #tpu.memory_space<vmem>>) target_semaphore(%arg14 : memref<!tpu.dma_semaphore, #tpu.memory_space<semaphore_mem>>)
    %dma_wait3A_52 = arith.constant 0 : i32
    %dma_wait3A_53 = arith.constant 0 : i32
    %dma_wait3A_54 = tpu.memref_slice %arg2[%add3A_41, %dma_wait3A_52, %dma_wait3A_53] : memref<160x2000x16xf32, #tpu.memory_space<hbm>> -> memref<1x2000x16xf32, #tpu.memory_space<hbm>>
    %dma_wait3A_55 = tpu.memref_squeeze %dma_wait3A_54 : memref<1x2000x16xf32, #tpu.memory_space<hbm>> -> memref<2000x16xf32, #tpu.memory_space<hbm>>
    %dma_wait3A_56 = arith.constant 0 : i32
    %dma_wait3A_57 = arith.constant 0 : i32
    %dma_wait3A_58 = tpu.memref_slice %arg2[%add3A_41, %dma_wait3A_56, %dma_wait3A_57] : memref<160x2000x16xf32, #tpu.memory_space<hbm>> -> memref<1x2000x16xf32, #tpu.memory_space<hbm>>
    %dma_wait3A_59 = tpu.memref_squeeze %dma_wait3A_58 : memref<1x2000x16xf32, #tpu.memory_space<hbm>> -> memref<2000x16xf32, #tpu.memory_space<hbm>>
    tpu.wait_dma2 semaphore(%arg12 : memref<!tpu.dma_semaphore, #tpu.memory_space<semaphore_mem>>) src(%dma_wait3A_59 : memref<2000x16xf32, #tpu.memory_space<hbm>>) dst(%arg7 : memref<2000x16xf32, #tpu.memory_space<vmem>>)
    %dma_wait3A_60 = tpu.memref_slice %arg3[%add3A_37] : memref<320000xi32, #tpu.memory_space<hbm>> -> memref<2000xi32, #tpu.memory_space<hbm>>
    %dma_wait3A_61 = tpu.memref_slice %arg3[%add3A_37] : memref<320000xi32, #tpu.memory_space<hbm>> -> memref<2000xi32, #tpu.memory_space<hbm>>
    tpu.wait_dma2 semaphore(%arg14 : memref<!tpu.dma_semaphore, #tpu.memory_space<semaphore_mem>>) src(%dma_wait3A_61 : memref<2000xi32, #tpu.memory_space<hbm>>) dst(%arg9 : memref<2000xi32, #tpu.memory_space<vmem>>)
    %dma_start3A_62 = arith.constant 0 : i32
    %dma_start3A_63 = arith.constant 0 : i32
    %dma_start3A_64 = tpu.memref_slice %arg10[%dma_start3A_62, %dma_start3A_63] : memref<10240x16xf32, #tpu.memory_space<vmem_shared>> -> memref<10240x16xf32, #tpu.memory_space<vmem_shared>>
    tpu.enqueue_indirect_dma source(%arg7 : memref<2000x16xf32, #tpu.memory_space<vmem>>) target(%dma_start3A_64 : memref<10240x16xf32, #tpu.memory_space<vmem_shared>>) offsets(%arg9 : memref<2000xi32, #tpu.memory_space<vmem>>) semaphore(%arg16 : memref<!tpu.dma_semaphore, #tpu.memory_space<semaphore_mem>>) {add = true}
    %dma_wait3A_65 = arith.constant 0 : i32
    %dma_wait3A_66 = arith.constant 0 : i32
    %dma_wait3A_67 = tpu.memref_slice %arg10[%dma_wait3A_65, %dma_wait3A_66] : memref<10240x16xf32, #tpu.memory_space<vmem_shared>> -> memref<10240x16xf32, #tpu.memory_space<vmem_shared>>
    tpu.wait_indirect_dma semaphore(%arg15 : memref<!tpu.dma_semaphore, #tpu.memory_space<semaphore_mem>>) src(%arg6 : memref<2000x16xf32, #tpu.memory_space<vmem>>) dst(%dma_wait3A_67 : memref<10240x16xf32, #tpu.memory_space<vmem_shared>>)
    %mul3A_68 = arith.constant 10000 : i32
    %mul3A_69 = arith.muli %add3A, %mul3A_68 : i32
    %add3A_70 = arith.constant 4000 : i32
    %add3A_71 = arith.addi %mul3A_69, %add3A_70 : i32
    %mul3A_72 = arith.constant 5 : i32
    %mul3A_73 = arith.muli %add3A, %mul3A_72 : i32
    %add3A_74 = arith.constant 2 : i32
    %add3A_75 = arith.addi %mul3A_73, %add3A_74 : i32
    %dma_start3A_76 = arith.constant 0 : i32
    %dma_start3A_77 = arith.constant 0 : i32
    %dma_start3A_78 = tpu.memref_slice %arg2[%add3A_75, %dma_start3A_76, %dma_start3A_77] : memref<160x2000x16xf32, #tpu.memory_space<hbm>> -> memref<1x2000x16xf32, #tpu.memory_space<hbm>>
    %dma_start3A_79 = tpu.memref_squeeze %dma_start3A_78 : memref<1x2000x16xf32, #tpu.memory_space<hbm>> -> memref<2000x16xf32, #tpu.memory_space<hbm>>
    %dma_start3A_80 = arith.constant 0 : i32
    %dma_start3A_81 = arith.constant 0 : i32
    %dma_start3A_82 = tpu.memref_slice %arg2[%add3A_75, %dma_start3A_80, %dma_start3A_81] : memref<160x2000x16xf32, #tpu.memory_space<hbm>> -> memref<1x2000x16xf32, #tpu.memory_space<hbm>>
    %dma_start3A_83 = tpu.memref_squeeze %dma_start3A_82 : memref<1x2000x16xf32, #tpu.memory_space<hbm>> -> memref<2000x16xf32, #tpu.memory_space<hbm>>
    tpu.enqueue_dma source(%dma_start3A_83 : memref<2000x16xf32, #tpu.memory_space<hbm>>) target(%arg6 : memref<2000x16xf32, #tpu.memory_space<vmem>>) target_semaphore(%arg11 : memref<!tpu.dma_semaphore, #tpu.memory_space<semaphore_mem>>)
    %dma_start3A_84 = tpu.memref_slice %arg3[%add3A_71] : memref<320000xi32, #tpu.memory_space<hbm>> -> memref<2000xi32, #tpu.memory_space<hbm>>
    %dma_start3A_85 = tpu.memref_slice %arg3[%add3A_71] : memref<320000xi32, #tpu.memory_space<hbm>> -> memref<2000xi32, #tpu.memory_space<hbm>>
    tpu.enqueue_dma source(%dma_start3A_85 : memref<2000xi32, #tpu.memory_space<hbm>>) target(%arg8 : memref<2000xi32, #tpu.memory_space<vmem>>) target_semaphore(%arg13 : memref<!tpu.dma_semaphore, #tpu.memory_space<semaphore_mem>>)
    %dma_wait3A_86 = arith.constant 0 : i32
    %dma_wait3A_87 = arith.constant 0 : i32
    %dma_wait3A_88 = tpu.memref_slice %arg2[%add3A_75, %dma_wait3A_86, %dma_wait3A_87] : memref<160x2000x16xf32, #tpu.memory_space<hbm>> -> memref<1x2000x16xf32, #tpu.memory_space<hbm>>
    %dma_wait3A_89 = tpu.memref_squeeze %dma_wait3A_88 : memref<1x2000x16xf32, #tpu.memory_space<hbm>> -> memref<2000x16xf32, #tpu.memory_space<hbm>>
    %dma_wait3A_90 = arith.constant 0 : i32
    %dma_wait3A_91 = arith.constant 0 : i32
    %dma_wait3A_92 = tpu.memref_slice %arg2[%add3A_75, %dma_wait3A_90, %dma_wait3A_91] : memref<160x2000x16xf32, #tpu.memory_space<hbm>> -> memref<1x2000x16xf32, #tpu.memory_space<hbm>>
    %dma_wait3A_93 = tpu.memref_squeeze %dma_wait3A_92 : memref<1x2000x16xf32, #tpu.memory_space<hbm>> -> memref<2000x16xf32, #tpu.memory_space<hbm>>
    tpu.wait_dma2 semaphore(%arg11 : memref<!tpu.dma_semaphore, #tpu.memory_space<semaphore_mem>>) src(%dma_wait3A_93 : memref<2000x16xf32, #tpu.memory_space<hbm>>) dst(%arg6 : memref<2000x16xf32, #tpu.memory_space<vmem>>)
    %dma_wait3A_94 = tpu.memref_slice %arg3[%add3A_71] : memref<320000xi32, #tpu.memory_space<hbm>> -> memref<2000xi32, #tpu.memory_space<hbm>>
    %dma_wait3A_95 = tpu.memref_slice %arg3[%add3A_71] : memref<320000xi32, #tpu.memory_space<hbm>> -> memref<2000xi32, #tpu.memory_space<hbm>>
    tpu.wait_dma2 semaphore(%arg13 : memref<!tpu.dma_semaphore, #tpu.memory_space<semaphore_mem>>) src(%dma_wait3A_95 : memref<2000xi32, #tpu.memory_space<hbm>>) dst(%arg8 : memref<2000xi32, #tpu.memory_space<vmem>>)
    %dma_start3A_96 = arith.constant 0 : i32
    %dma_start3A_97 = arith.constant 0 : i32
    %dma_start3A_98 = tpu.memref_slice %arg10[%dma_start3A_96, %dma_start3A_97] : memref<10240x16xf32, #tpu.memory_space<vmem_shared>> -> memref<10240x16xf32, #tpu.memory_space<vmem_shared>>
    tpu.enqueue_indirect_dma source(%arg6 : memref<2000x16xf32, #tpu.memory_space<vmem>>) target(%dma_start3A_98 : memref<10240x16xf32, #tpu.memory_space<vmem_shared>>) offsets(%arg8 : memref<2000xi32, #tpu.memory_space<vmem>>) semaphore(%arg15 : memref<!tpu.dma_semaphore, #tpu.memory_space<semaphore_mem>>) {add = true}
    %dma_wait3A_99 = arith.constant 0 : i32
    %dma_wait3A_100 = arith.constant 0 : i32
    %dma_wait3A_101 = tpu.memref_slice %arg10[%dma_wait3A_99, %dma_wait3A_100] : memref<10240x16xf32, #tpu.memory_space<vmem_shared>> -> memref<10240x16xf32, #tpu.memory_space<vmem_shared>>
    tpu.wait_indirect_dma semaphore(%arg16 : memref<!tpu.dma_semaphore, #tpu.memory_space<semaphore_mem>>) src(%arg7 : memref<2000x16xf32, #tpu.memory_space<vmem>>) dst(%dma_wait3A_101 : memref<10240x16xf32, #tpu.memory_space<vmem_shared>>)
    %mul3A_102 = arith.constant 10000 : i32
    %mul3A_103 = arith.muli %add3A, %mul3A_102 : i32
    %add3A_104 = arith.constant 6000 : i32
    %add3A_105 = arith.addi %mul3A_103, %add3A_104 : i32
    %mul3A_106 = arith.constant 5 : i32
    %mul3A_107 = arith.muli %add3A, %mul3A_106 : i32
    %add3A_108 = arith.constant 3 : i32
    %add3A_109 = arith.addi %mul3A_107, %add3A_108 : i32
    %dma_start3A_110 = arith.constant 0 : i32
    %dma_start3A_111 = arith.constant 0 : i32
    %dma_start3A_112 = tpu.memref_slice %arg2[%add3A_109, %dma_start3A_110, %dma_start3A_111] : memref<160x2000x16xf32, #tpu.memory_space<hbm>> -> memref<1x2000x16xf32, #tpu.memory_space<hbm>>
    %dma_start3A_113 = tpu.memref_squeeze %dma_start3A_112 : memref<1x2000x16xf32, #tpu.memory_space<hbm>> -> memref<2000x16xf32, #tpu.memory_space<hbm>>
    %dma_start3A_114 = arith.constant 0 : i32
    %dma_start3A_115 = arith.constant 0 : i32
    %dma_start3A_116 = tpu.memref_slice %arg2[%add3A_109, %dma_start3A_114, %dma_start3A_115] : memref<160x2000x16xf32, #tpu.memory_space<hbm>> -> memref<1x2000x16xf32, #tpu.memory_space<hbm>>
    %dma_start3A_117 = tpu.memref_squeeze %dma_start3A_116 : memref<1x2000x16xf32, #tpu.memory_space<hbm>> -> memref<2000x16xf32, #tpu.memory_space<hbm>>
    tpu.enqueue_dma source(%dma_start3A_117 : memref<2000x16xf32, #tpu.memory_space<hbm>>) target(%arg7 : memref<2000x16xf32, #tpu.memory_space<vmem>>) target_semaphore(%arg12 : memref<!tpu.dma_semaphore, #tpu.memory_space<semaphore_mem>>)
    %dma_start3A_118 = tpu.memref_slice %arg3[%add3A_105] : memref<320000xi32, #tpu.memory_space<hbm>> -> memref<2000xi32, #tpu.memory_space<hbm>>
    %dma_start3A_119 = tpu.memref_slice %arg3[%add3A_105] : memref<320000xi32, #tpu.memory_space<hbm>> -> memref<2000xi32, #tpu.memory_space<hbm>>
    tpu.enqueue_dma source(%dma_start3A_119 : memref<2000xi32, #tpu.memory_space<hbm>>) target(%arg9 : memref<2000xi32, #tpu.memory_space<vmem>>) target_semaphore(%arg14 : memref<!tpu.dma_semaphore, #tpu.memory_space<semaphore_mem>>)
    %dma_wait3A_120 = arith.constant 0 : i32
    %dma_wait3A_121 = arith.constant 0 : i32
    %dma_wait3A_122 = tpu.memref_slice %arg2[%add3A_109, %dma_wait3A_120, %dma_wait3A_121] : memref<160x2000x16xf32, #tpu.memory_space<hbm>> -> memref<1x2000x16xf32, #tpu.memory_space<hbm>>
    %dma_wait3A_123 = tpu.memref_squeeze %dma_wait3A_122 : memref<1x2000x16xf32, #tpu.memory_space<hbm>> -> memref<2000x16xf32, #tpu.memory_space<hbm>>
    %dma_wait3A_124 = arith.constant 0 : i32
    %dma_wait3A_125 = arith.constant 0 : i32
    %dma_wait3A_126 = tpu.memref_slice %arg2[%add3A_109, %dma_wait3A_124, %dma_wait3A_125] : memref<160x2000x16xf32, #tpu.memory_space<hbm>> -> memref<1x2000x16xf32, #tpu.memory_space<hbm>>
    %dma_wait3A_127 = tpu.memref_squeeze %dma_wait3A_126 : memref<1x2000x16xf32, #tpu.memory_space<hbm>> -> memref<2000x16xf32, #tpu.memory_space<hbm>>
    tpu.wait_dma2 semaphore(%arg12 : memref<!tpu.dma_semaphore, #tpu.memory_space<semaphore_mem>>) src(%dma_wait3A_127 : memref<2000x16xf32, #tpu.memory_space<hbm>>) dst(%arg7 : memref<2000x16xf32, #tpu.memory_space<vmem>>)
    %dma_wait3A_128 = tpu.memref_slice %arg3[%add3A_105] : memref<320000xi32, #tpu.memory_space<hbm>> -> memref<2000xi32, #tpu.memory_space<hbm>>
    %dma_wait3A_129 = tpu.memref_slice %arg3[%add3A_105] : memref<320000xi32, #tpu.memory_space<hbm>> -> memref<2000xi32, #tpu.memory_space<hbm>>
    tpu.wait_dma2 semaphore(%arg14 : memref<!tpu.dma_semaphore, #tpu.memory_space<semaphore_mem>>) src(%dma_wait3A_129 : memref<2000xi32, #tpu.memory_space<hbm>>) dst(%arg9 : memref<2000xi32, #tpu.memory_space<vmem>>)
    %dma_start3A_130 = arith.constant 0 : i32
    %dma_start3A_131 = arith.constant 0 : i32
    %dma_start3A_132 = tpu.memref_slice %arg10[%dma_start3A_130, %dma_start3A_131] : memref<10240x16xf32, #tpu.memory_space<vmem_shared>> -> memref<10240x16xf32, #tpu.memory_space<vmem_shared>>
    tpu.enqueue_indirect_dma source(%arg7 : memref<2000x16xf32, #tpu.memory_space<vmem>>) target(%dma_start3A_132 : memref<10240x16xf32, #tpu.memory_space<vmem_shared>>) offsets(%arg9 : memref<2000xi32, #tpu.memory_space<vmem>>) semaphore(%arg16 : memref<!tpu.dma_semaphore, #tpu.memory_space<semaphore_mem>>) {add = true}
    %dma_wait3A_133 = arith.constant 0 : i32
    %dma_wait3A_134 = arith.constant 0 : i32
    %dma_wait3A_135 = tpu.memref_slice %arg10[%dma_wait3A_133, %dma_wait3A_134] : memref<10240x16xf32, #tpu.memory_space<vmem_shared>> -> memref<10240x16xf32, #tpu.memory_space<vmem_shared>>
    tpu.wait_indirect_dma semaphore(%arg15 : memref<!tpu.dma_semaphore, #tpu.memory_space<semaphore_mem>>) src(%arg6 : memref<2000x16xf32, #tpu.memory_space<vmem>>) dst(%dma_wait3A_135 : memref<10240x16xf32, #tpu.memory_space<vmem_shared>>)
    %mul3A_136 = arith.constant 10000 : i32
    %mul3A_137 = arith.muli %add3A, %mul3A_136 : i32
    %add3A_138 = arith.constant 8000 : i32
    %add3A_139 = arith.addi %mul3A_137, %add3A_138 : i32
    %mul3A_140 = arith.constant 5 : i32
    %mul3A_141 = arith.muli %add3A, %mul3A_140 : i32
    %add3A_142 = arith.constant 4 : i32
    %add3A_143 = arith.addi %mul3A_141, %add3A_142 : i32
    %dma_start3A_144 = arith.constant 0 : i32
    %dma_start3A_145 = arith.constant 0 : i32
    %dma_start3A_146 = tpu.memref_slice %arg2[%add3A_143, %dma_start3A_144, %dma_start3A_145] : memref<160x2000x16xf32, #tpu.memory_space<hbm>> -> memref<1x2000x16xf32, #tpu.memory_space<hbm>>
    %dma_start3A_147 = tpu.memref_squeeze %dma_start3A_146 : memref<1x2000x16xf32, #tpu.memory_space<hbm>> -> memref<2000x16xf32, #tpu.memory_space<hbm>>
    %dma_start3A_148 = arith.constant 0 : i32
    %dma_start3A_149 = arith.constant 0 : i32
    %dma_start3A_150 = tpu.memref_slice %arg2[%add3A_143, %dma_start3A_148, %dma_start3A_149] : memref<160x2000x16xf32, #tpu.memory_space<hbm>> -> memref<1x2000x16xf32, #tpu.memory_space<hbm>>
    %dma_start3A_151 = tpu.memref_squeeze %dma_start3A_150 : memref<1x2000x16xf32, #tpu.memory_space<hbm>> -> memref<2000x16xf32, #tpu.memory_space<hbm>>
    tpu.enqueue_dma source(%dma_start3A_151 : memref<2000x16xf32, #tpu.memory_space<hbm>>) target(%arg6 : memref<2000x16xf32, #tpu.memory_space<vmem>>) target_semaphore(%arg11 : memref<!tpu.dma_semaphore, #tpu.memory_space<semaphore_mem>>)
    %dma_start3A_152 = tpu.memref_slice %arg3[%add3A_139] : memref<320000xi32, #tpu.memory_space<hbm>> -> memref<2000xi32, #tpu.memory_space<hbm>>
    %dma_start3A_153 = tpu.memref_slice %arg3[%add3A_139] : memref<320000xi32, #tpu.memory_space<hbm>> -> memref<2000xi32, #tpu.memory_space<hbm>>
    tpu.enqueue_dma source(%dma_start3A_153 : memref<2000xi32, #tpu.memory_space<hbm>>) target(%arg8 : memref<2000xi32, #tpu.memory_space<vmem>>) target_semaphore(%arg13 : memref<!tpu.dma_semaphore, #tpu.memory_space<semaphore_mem>>)
    %dma_wait3A_154 = arith.constant 0 : i32
    %dma_wait3A_155 = arith.constant 0 : i32
    %dma_wait3A_156 = tpu.memref_slice %arg2[%add3A_143, %dma_wait3A_154, %dma_wait3A_155] : memref<160x2000x16xf32, #tpu.memory_space<hbm>> -> memref<1x2000x16xf32, #tpu.memory_space<hbm>>
    %dma_wait3A_157 = tpu.memref_squeeze %dma_wait3A_156 : memref<1x2000x16xf32, #tpu.memory_space<hbm>> -> memref<2000x16xf32, #tpu.memory_space<hbm>>
    %dma_wait3A_158 = arith.constant 0 : i32
    %dma_wait3A_159 = arith.constant 0 : i32
    %dma_wait3A_160 = tpu.memref_slice %arg2[%add3A_143, %dma_wait3A_158, %dma_wait3A_159] : memref<160x2000x16xf32, #tpu.memory_space<hbm>> -> memref<1x2000x16xf32, #tpu.memory_space<hbm>>
    %dma_wait3A_161 = tpu.memref_squeeze %dma_wait3A_160 : memref<1x2000x16xf32, #tpu.memory_space<hbm>> -> memref<2000x16xf32, #tpu.memory_space<hbm>>
    tpu.wait_dma2 semaphore(%arg11 : memref<!tpu.dma_semaphore, #tpu.memory_space<semaphore_mem>>) src(%dma_wait3A_161 : memref<2000x16xf32, #tpu.memory_space<hbm>>) dst(%arg6 : memref<2000x16xf32, #tpu.memory_space<vmem>>)
    %dma_wait3A_162 = tpu.memref_slice %arg3[%add3A_139] : memref<320000xi32, #tpu.memory_space<hbm>> -> memref<2000xi32, #tpu.memory_space<hbm>>
    %dma_wait3A_163 = tpu.memref_slice %arg3[%add3A_139] : memref<320000xi32, #tpu.memory_space<hbm>> -> memref<2000xi32, #tpu.memory_space<hbm>>
    tpu.wait_dma2 semaphore(%arg13 : memref<!tpu.dma_semaphore, #tpu.memory_space<semaphore_mem>>) src(%dma_wait3A_163 : memref<2000xi32, #tpu.memory_space<hbm>>) dst(%arg8 : memref<2000xi32, #tpu.memory_space<vmem>>)
    %dma_start3A_164 = arith.constant 0 : i32
    %dma_start3A_165 = arith.constant 0 : i32
    %dma_start3A_166 = tpu.memref_slice %arg10[%dma_start3A_164, %dma_start3A_165] : memref<10240x16xf32, #tpu.memory_space<vmem_shared>> -> memref<10240x16xf32, #tpu.memory_space<vmem_shared>>
    tpu.enqueue_indirect_dma source(%arg6 : memref<2000x16xf32, #tpu.memory_space<vmem>>) target(%dma_start3A_166 : memref<10240x16xf32, #tpu.memory_space<vmem_shared>>) offsets(%arg8 : memref<2000xi32, #tpu.memory_space<vmem>>) semaphore(%arg15 : memref<!tpu.dma_semaphore, #tpu.memory_space<semaphore_mem>>) {add = true}
    %dma_wait3A_167 = arith.constant 0 : i32
    %dma_wait3A_168 = arith.constant 0 : i32
    %dma_wait3A_169 = tpu.memref_slice %arg10[%dma_wait3A_167, %dma_wait3A_168] : memref<10240x16xf32, #tpu.memory_space<vmem_shared>> -> memref<10240x16xf32, #tpu.memory_space<vmem_shared>>
    tpu.wait_indirect_dma semaphore(%arg16 : memref<!tpu.dma_semaphore, #tpu.memory_space<semaphore_mem>>) src(%arg7 : memref<2000x16xf32, #tpu.memory_space<vmem>>) dst(%dma_wait3A_169 : memref<10240x16xf32, #tpu.memory_space<vmem_shared>>)
    %dma_wait3A_170 = arith.constant 0 : i32
    %dma_wait3A_171 = arith.constant 0 : i32
    %dma_wait3A_172 = tpu.memref_slice %arg10[%dma_wait3A_170, %dma_wait3A_171] : memref<10240x16xf32, #tpu.memory_space<vmem_shared>> -> memref<10240x16xf32, #tpu.memory_space<vmem_shared>>
    tpu.wait_indirect_dma semaphore(%arg15 : memref<!tpu.dma_semaphore, #tpu.memory_space<semaphore_mem>>) src(%arg6 : memref<2000x16xf32, #tpu.memory_space<vmem>>) dst(%dma_wait3A_172 : memref<10240x16xf32, #tpu.memory_space<vmem_shared>>)
    %barrier3A_173 = arith.constant 0 : index
    tpu.barrier barrier_id(%barrier3A_173)
    %mul3A_174 = arith.constant 640 : i32
    %mul3A_175 = arith.muli %arg1, %mul3A_174 : i32
    %mul3A_176 = arith.constant 640 : i32
    %mul3A_177 = arith.muli %arg1, %mul3A_176 : i32
    "tpu.region"() ({
      %run_scoped3A = tpu.sem_alloc : memref<!tpu.dma_semaphore, #tpu.memory_space<semaphore_mem>>
      %dma_start3A_178 = arith.constant 0 : i32
      %dma_start3A_179 = tpu.memref_slice %arg5[%arg0, %mul3A_177, %dma_start3A_178] : memref<2x10240x16xf32, #tpu.memory_space<hbm>> -> memref<1x640x16xf32, #tpu.memory_space<hbm>>
      %dma_start3A_180 = tpu.memref_squeeze %dma_start3A_179 : memref<1x640x16xf32, #tpu.memory_space<hbm>> -> memref<640x16xf32, #tpu.memory_space<hbm>>
      %dma_start3A_181 = arith.constant 0 : i32
      %dma_start3A_182 = tpu.memref_slice %arg10[%mul3A_175, %dma_start3A_181] : memref<10240x16xf32, #tpu.memory_space<vmem_shared>> -> memref<640x16xf32, #tpu.memory_space<vmem_shared>>
      tpu.enqueue_dma source(%dma_start3A_182 : memref<640x16xf32, #tpu.memory_space<vmem_shared>>) target(%dma_start3A_180 : memref<640x16xf32, #tpu.memory_space<hbm>>) target_semaphore(%run_scoped3A : memref<!tpu.dma_semaphore, #tpu.memory_space<semaphore_mem>>)
      %dma_wait3A_183 = arith.constant 0 : i32
      %dma_wait3A_184 = tpu.memref_slice %arg5[%arg0, %mul3A_177, %dma_wait3A_183] : memref<2x10240x16xf32, #tpu.memory_space<hbm>> -> memref<1x640x16xf32, #tpu.memory_space<hbm>>
      %dma_wait3A_185 = tpu.memref_squeeze %dma_wait3A_184 : memref<1x640x16xf32, #tpu.memory_space<hbm>> -> memref<640x16xf32, #tpu.memory_space<hbm>>
      %dma_wait3A_186 = arith.constant 0 : i32
      %dma_wait3A_187 = tpu.memref_slice %arg10[%mul3A_175, %dma_wait3A_186] : memref<10240x16xf32, #tpu.memory_space<vmem_shared>> -> memref<640x16xf32, #tpu.memory_space<vmem_shared>>
      tpu.wait_dma2 semaphore(%run_scoped3A : memref<!tpu.dma_semaphore, #tpu.memory_space<semaphore_mem>>) src(%dma_wait3A_187 : memref<640x16xf32, #tpu.memory_space<vmem_shared>>) dst(%dma_wait3A_185 : memref<640x16xf32, #tpu.memory_space<hbm>>)
      tpu.yield
    }) : () -> ()
    return
  }
}

module attributes {stable_mosaic.version = 14 : i64} {
  func.func @body(%arg0: i32, %arg1: memref<1x1000x16xf32, #tpu.memory_space<vmem>>, %arg2: memref<1x1000x16xf32, #tpu.memory_space<vmem>>, %arg3: memref<128x16xf32, #tpu.memory_space<vmem>>, %arg4: memref<1000x128xf32, #tpu.memory_space<vmem>>) attributes {dimension_semantics = [#tpu.dimension_semantics<arbitrary>], iteration_bounds = array<i64: 10>, scalar_prefetch = 0 : i64, scratch_operands = 0 : i64, tpu.core_type = #tpu.core_type<tc>, window_params = [{transform_indices = @transform_0, window_bounds = array<i64: 1, 1000, 16>}, {transform_indices = @transform_1, window_bounds = array<i64: 1, 1000, 16>}, {pipeline_mode = #tpu.pipeline_mode<synchronous>, transform_indices = @transform_2, window_bounds = array<i64: 128, 16>}, {transform_indices = @transform_3, window_bounds = array<i64: 1000, 128>}]} {
    %get3A = arith.constant 0 : index
    %get3A_0 = arith.constant 0 : index
    %get3A_1 = arith.constant 0 : index
    %get3A_2 = vector.load %arg1[%get3A, %get3A_0, %get3A_1] : memref<1x1000x16xf32, #tpu.memory_space<vmem>>, vector<1x1000x16xf32>
    %get3A_3 = vector.shape_cast %get3A_2 : vector<1x1000x16xf32> to vector<1000x16xf32>
    %get3A_4 = arith.constant 0 : index
    %get3A_5 = arith.constant 0 : index
    %get3A_6 = arith.constant 0 : index
    %get3A_7 = vector.load %arg2[%get3A_4, %get3A_5, %get3A_6] : memref<1x1000x16xf32, #tpu.memory_space<vmem>>, vector<1x1000x16xf32>
    %get3A_8 = vector.shape_cast %get3A_7 : vector<1x1000x16xf32> to vector<1000x16xf32>
    %add3A = arith.addf %get3A_3, %get3A_8 : vector<1000x16xf32>
    %get3A_9 = arith.constant 0 : index
    %get3A_10 = arith.constant 0 : index
    %get3A_11 = vector.load %arg3[%get3A_9, %get3A_10] : memref<128x16xf32, #tpu.memory_space<vmem>>, vector<128x16xf32>
    %dot_general3A = arith.constant dense<0.000000e+00> : vector<1000x128xf32>
    %dot_general3A_12 = tpu.matmul %add3A, %get3A_11, %dot_general3A {dimension_numbers = #tpu.dot_dimension_numbers<[1], [1], [0], [0], [0, 0, 1, 0], [], []>, transpose_lhs_hint = false} : vector<1000x16xf32>, vector<128x16xf32>, vector<1000x128xf32> -> vector<1000x128xf32>
    %swap3A = arith.constant 0 : index
    %swap3A_13 = arith.constant 0 : index
    %swap3A_14 = vector.load %arg4[%swap3A, %swap3A_13] : memref<1000x128xf32, #tpu.memory_space<vmem>>, vector<1000x128xf32>
    tpu.vector_store %arg4[%swap3A, %swap3A_13], %dot_general3A_12 {strides = array<i32>} : memref<1000x128xf32, #tpu.memory_space<vmem>>, vector<1000x128xf32>,
    return
  }
  func.func @transform_0(%arg0: i32) -> (i32, i32, i32) {
    %c0_i32 = arith.constant 0 : i32
    %c0_i32_0 = arith.constant 0 : i32
    %c0_i32_1 = arith.constant 0 : i32
    return %c0_i32, %arg0, %c0_i32_0 : i32, i32, i32
  }
  func.func @transform_1(%arg0: i32) -> (i32, i32, i32) {
    %c1_i32 = arith.constant 1 : i32
    %c0_i32 = arith.constant 0 : i32
    %c0_i32_0 = arith.constant 0 : i32
    return %c1_i32, %arg0, %c0_i32 : i32, i32, i32
  }
  func.func @transform_2(%arg0: i32) -> (i32, i32) {
    %c0_i32 = arith.constant 0 : i32
    %c0_i32_0 = arith.constant 0 : i32
    %c0_i32_1 = arith.constant 0 : i32
    return %c0_i32, %c0_i32_0 : i32, i32
  }
  func.func @transform_3(%arg0: i32) -> (i32, i32) {
    %c0_i32 = arith.constant 0 : i32
    %c0_i32_0 = arith.constant 0 : i32
    return %arg0, %c0_i32 : i32, i32
  }
}

</mosaic_0001>

<sc_bundles>
// kernel: kernel.4.cloned.1.call-start
scs
__scs_entry_jumppad:
0x0: {  	(pc) =	sbr.rel $0x88, $3  }
0x1: {  	(tag) =	ssettag $0x0;
	lr =	simm.s32 $0x1  }
0x2: {  	[smem:$0x3F9E] =	sst lr;
	_ =	strace $0xD0000000  }
0x3: {  	_ = 	snop  }
0x4: {  	_ = 	snop  }
0x5: {  	_ = 	snop  }
0x6: {  	_ = 	snop  }
0x7: {  	_ = 	snop  }
__scs_overlays_trampoline_lowered:
0x8: {  	[smem:$0x3FAD] =	sst s0  }
0x9: {  	[smem:$0x3FAE] =	sst s1  }
0xa: {  	[smem:$0x3FAF] =	sst s2  }
0xb: {  	[smem:$0x3FB0] =	sst s3  }
0xc: {  	[smem:$0x3FB1] =	sst s4  }
0xd: {  	[smem:$0x3FB2] =	sst s5  }
0xe: {  	[smem:$0x3FB3] =	sst s6  }
0xf: {  	[smem:$0x3FB4] =	sst s7  }
0x10: {  	[smem:$0x3FB5] =	sst s8  }
0x11: {  	[smem:$0x3FB6] =	sst s9;
	s0 =	simm.s32 @!p0 $0x0  }
0x12: {  	s1 =	sld [smem:$0x3F9C];
	s0 =	simm.s32 @p0 $0x1  }
0x13: {  	[smem:$0x3FB7] =	sst s0;
	s0 =	simm.s32 @!p1 $0x0  }
0x14: {  	s2 =	sld [smem:$0x3F9B];
	s0 =	simm.s32 @p1 $0x1  }
0x15: {  	[smem:$0x3FB8] =	sst s0;
	s0 =	simm.s32 @!p2 $0x0  }
0x16: {  	s3 =	sld [smem:$0x3FDB];
	s0 =	simm.s32 @p2 $0x1  }
0x17: {  	s4 =	simm.s32 $0x1BF5;
	[smem:$0x3FBA] =	sst s0  }
0x18: {  	s0 =	sld [smem:$0x3F9D];
	_ =	swait.ge [sflag:s4], $0x0  }
0x19: {  	s7 =	sld [smem:$0x3F9E]  }
0x1a: {  	s8 =	sadd.s32 $0xFFFFE003, lr  }
0x1b: {  	s9 =	sadd.s32 $0xFFFFFEF7, lr;
	s5 =	simm.s32 $0xFFFFFFFF;
	p2 =	slt.u32 s8, $0xFFFFF086  }
0x1c: {  	p1 =	slt.u32 s9, $0xF7A;
	s5 =	simm.s32 @!p2 $0x0  }
0x1d: {  	s5 =	simm.s32 @p1 $0x1;
	p0 =	seq.s32 s7, s2  }
0x1e: {  	s7 =	smul.u32 @!p0 $0xF7A, s2;
	p2 =	seq.s32 @!p0 s5, $0x0  }
0x1f: {  	s9 =	smul.u32 $0xF7A, s1;
	s8 =	simm.s32 @!p0 $0x1BF5;
	p2 =	por !p2, p0  }
0x20: {  	[sflag:s8] =	ssyncset.s32 @!p0 $0xFFFFF086;
	s6 =	sadd.s32 @!p0 s3, s7;
	s7 =	simm.s32 @!p0 $0x108  }
0x21: {  	s3 =	sadd.s32 s3, s9;
	s6 =	sadd.s32 @!p0 $0x88, s6;
	s7 =	simm.s32 @p2 $0x1082  }
0x22: {  	[simem:s7], [sflag:s8] =	dma.local @!p0 [hbm:s6], $0xF7A  }
0x23: {  	s9 =	sor.u32 $0xD0000000, s2;
	s6 =	simm.s32 $0x108;
	_ =	swait.ge @!p0 [sflag:s8], $0x0  }
0x24: {  	s3 =	sadd.s32 $0x88, s3;
	s6 =	simm.s32 @!p1 $0x1082;
	[sflag:s4] =	ssyncset.s32 $0xFFFFF086  }
0x25: {  	[simem:s6], [sflag:s4] =	dma.local [hbm:s3], $0xF7A  }
0x26: {  	[smem:$0x3F9E] =	sst s1;
	(tag) =	ssettag s2;
	_ =	strace s9  }
0x27: {  	s1 =	sld [smem:$0x3FAE]  }
0x28: {  	s2 =	sld [smem:$0x3FAF]  }
0x29: {  	s4 =	sld [smem:$0x3FB1]  }
0x2a: {  	p0 =	seq.s32 s5, $0x0;
	s5 =	sld [smem:$0x3FB2]  }
0x2b: {  	s6 =	sld [smem:$0x3FB3]  }
0x2c: {  	s7 =	sld [smem:$0x3FB4]  }
0x2d: {  	s3 =	simm.s32 $0x108;
	s8 =	sld [smem:$0x3FB5]  }
0x2e: {  	s3 =	simm.s32 @!p0 $0x1082;
	s9 =	sld [smem:$0x3FB6]  }
0x2f: {  	lr =	sadd.s32 s0, s3;
	s0 =	sld [smem:$0x3FAD]  }
0x30: {  	s3 =	sld [smem:$0x3FB0]  }
0x31: {  	[smem:$0x3FB9] =	sst s10  }
0x32: {  	s10 =	sld [smem:$0x3FB7];
	_ =	sdelay $0x3  }
0x33: {  	p0 =	seq.s32 s10, $0x1;
	s10 =	sld [smem:$0x3FB9];
	_ =	sdelay $0x3  }
0x34: {  	[smem:$0x3FB9] =	sst s10  }
0x35: {  	s10 =	sld [smem:$0x3FB8];
	_ =	sdelay $0x3  }
0x36: {  	p1 =	seq.s32 s10, $0x1;
	s10 =	sld [smem:$0x3FB9];
	_ =	sdelay $0x3  }
0x37: {  	[smem:$0x3FB9] =	sst s10  }
0x38: {  	s10 =	sld [smem:$0x3FBA]  }
0x39: {  	_ = 	snop;
	(pc) =	sbr.ind lr, $3  }
0x3a: {  	_ = 	snop  }
0x3b: {  	_ = 	snop  }
0x3c: {  	p2 =	seq.s32 s10, $0x1;
	s10 =	sld [smem:$0x3FB9]  }
0x3d: {  	_ =	shalt  }
0x3e: {  	_ =	shalt  }
0x3f: {  	_ =	shalt  }
0x40: {  	_ =	shalt  }
0x41: {  	_ =	shalt  }
0x42: {  	_ =	shalt  }
0x43: {  	_ =	shalt  }
0x44: {  	_ =	shalt  }
0x45: {  	_ =	shalt  }
0x46: {  	_ =	shalt  }
0x47: {  	_ =	shalt  }
0x48: {  	_ =	shalt  }
0x49: {  	_ =	shalt  }
0x4a: {  	_ =	shalt  }
0x4b: {  	_ =	shalt  }
0x4c: {  	_ =	shalt  }
0x4d: {  	_ =	shalt  }
0x4e: {  	_ =	shalt  }
0x4f: {  	_ =	shalt  }
0x50: {  	_ =	shalt  }
0x51: {  	_ =	shalt  }
0x52: {  	_ =	shalt  }
0x53: {  	_ =	shalt  }
0x54: {  	_ =	shalt  }
0x55: {  	_ =	shalt  }
0x56: {  	_ =	shalt  }
0x57: {  	_ =	shalt  }
0x58: {  	_ =	shalt  }
0x59: {  	_ =	shalt  }
0x5a: {  	_ =	shalt  }
0x5b: {  	_ =	shalt  }
0x5c: {  	_ =	shalt  }
0x5d: {  	_ =	shalt  }
0x5e: {  	_ =	shalt  }
0x5f: {  	_ =	shalt  }
0x60: {  	_ =	shalt  }
0x61: {  	_ =	shalt  }
0x62: {  	_ =	shalt  }
0x63: {  	_ =	shalt  }
0x64: {  	_ =	shalt  }
0x65: {  	_ =	shalt  }
0x66: {  	_ =	shalt  }
0x67: {  	_ =	shalt  }
0x68: {  	_ =	shalt  }
0x69: {  	_ =	shalt  }
0x6a: {  	_ =	shalt  }
0x6b: {  	_ =	shalt  }
0x6c: {  	_ =	shalt  }
0x6d: {  	_ =	shalt  }
0x6e: {  	_ =	shalt  }
0x6f: {  	_ =	shalt  }
0x70: {  	_ =	shalt  }
0x71: {  	_ =	shalt  }
0x72: {  	_ =	shalt  }
0x73: {  	_ =	shalt  }
0x74: {  	_ =	shalt  }
0x75: {  	_ =	shalt  }
0x76: {  	_ =	shalt  }
0x77: {  	_ =	shalt  }
0x78: {  	_ =	shalt  }
0x79: {  	_ =	shalt  }
0x7a: {  	_ =	shalt  }
0x7b: {  	_ =	shalt  }
0x7c: {  	_ =	shalt  }
0x7d: {  	_ =	shalt  }
0x7e: {  	_ =	shalt  }
0x7f: {  	_ =	shalt  }
0x80: {  	_ =	shalt  }
0x81: {  	_ =	shalt  }
0x82: {  	_ =	shalt  }
0x83: {  	_ =	shalt  }
0x84: {  	_ =	shalt  }
0x85: {  	_ =	shalt  }
0x86: {  	_ =	shalt  }
0x87: {  	_ =	shalt  }
.Lfunc_end0:
.L_simem_size_0:
called_computation_lowered:
.L_overlay_start_0:
0x88: {  	s2 =	sld [smem:$0x3FD9]  }
0x89: {  	s3 =	sld [smem:$0x3FFE];
	_ =	sdelay $0x1  }
0x8a: {  	s1 =	srdreg.scid  }
0x8b: {  	s0 =	sand.u32 $0x1, s1  }
0x8c: {  	s17 =	sshll.u32 s0, $0xA;
	s2 =	sadd.s32 s3, s2  }
0x8d: {  	s2 =	sadd.s32 s2, s17  }
0x8e: {  	[smem:$0x3FC5] =	sst s2  }
0x8f: {  	_ = 	snop  }
0x90: {  	s2 =	sld [smem:$0x3FD0];
	(tm) =	ssettm $0x1  }
0x91: {  	s18 =	sld [smem:$0x3FFB];
	_ =	sdelay $0x3  }
0x92: {  	_ =	strace s18  }
0x93: {  	s3 =	sld [smem:$0x3FFC];
	_ =	sdelay $0x3  }
0x94: {  	_ =	strace s3  }
0x95: {  	s3 =	sld [smem:$0x3FFD];
	_ =	sdelay $0x3  }
0x96: {  	_ =	strace s3  }
0x97: {  	_ =	strace $0x8FFFFFFF  }
0x98: {  	s19 =	sld [smem:$0x3FDB];
	_ =	sdelay $0x1  }
0x99: {  	s4 =	simm.s32 $_scs_section_size  }
0x9a: {  	s5 =	simm.s32 $_size__tile_overlayer_lowered;
	s6 =	simm.s32 $_tile_overlayer_lowered  }
0x9b: {  	s22 =	simm.s32 $0x1BFF;
	s21 =	sshll.u32 s6, $0x1;
	s3 =	sadd.s32 s4, s19  }
0x9c: {  	s7 =	simm.s32 $0x0;
	s20 =	sshll.u32 s5, $0x1;
	s5 =	sadd.s32 s21, s3  }
0x9d: {  	[timem:s7], [sflag:s22] =	dma.local [hbm:s5], s20  }
0x9e: {  	_ =	swait.ge [sflag:s22], s20  }
0x9f: {  	s4 =	ssub.s32 $0x0, s20;
	[sflag:s22] =	ssyncset.done $0x0  }
0xa0: {  	[sflag:s22] =	ssyncadd.s32 s4;
	_ =	sdelay $0x1  }
0xa1: {  	s23 =	simm.s32 $0x1B8B  }
0xa2: {  	_ =	swait.ge [sflag:s23], $0x1  }
0xa3: {  	[sflag:s23] =	ssyncset.done $0x0  }
0xa4: {  	s25 =	simm.s32 $0x1B8E;
	s24 =	sld [smem:$0x3FFE];
	[sflag:s23] =	ssyncadd.s32 $0xFFFFFFFF  }
0xa5: {  	s26 =	simm.s32 $execute0_lowered;
	[smem:$0x3FD2] =	sst s25  }
0xa6: {  	s5 =	sshll.u32 s26, $0x1;
	_ =	strace $0x80000046;
	[dreg:$0x1] =	wrdreg $0xFFFFFFFF  }
0xa7: {  	s28 =	simm.s32 $_size_execute0_lowered;
	s3 =	sadd.s32 s3, s5;
	[dreg:$0x0] =	wrdreg $0x0  }
0xa8: {  	s5 =	sshll.u32 s28, $0x1;
	[dreg:$0x2] =	wrdreg s3  }
0xa9: {  	[dreg:$0x3] =	wrdreg s5  }
0xaa: {  	[dreg:$0x4] =	wrdreg $0xC0  }
0xab: {  	_ =	task [dreg:s7], $0x5FFFF  }
0xac: {  	[dreg:$0x1] =	wrdreg $0xFFFFFFFF  }
0xad: {  	[dreg:$0x0] =	wrdreg $0x60  }
0xae: {  	[dreg:$0x2] =	wrdreg s24  }
0xaf: {  	[dreg:$0x3] =	wrdreg s2  }
0xb0: {  	[dreg:$0x4] =	wrdreg $0x109A00  }
0xb1: {  	[dreg:$0x5] =	wrdreg $0x9  }
0xb2: {  	_ =	task.clear_ibuf [dreg:s7], $0x6FFFF;
	_ =	strace $0x90000046  }
0xb3: {  	s29 =	simm.s32 $0x9;
	_ =	strace $0x80000048  }
0xb4: {  	_ =	swait.ge [sflag:s29], $0x1  }
0xb5: {  	[sflag:s29] =	ssyncadd.s32 $0xFFFFFFFF  }
0xb6: {  	_ =	strace $0x90000048  }
0xb7: {  	_ =	sfence  }
0xb8: {  	s30 =	sld [smem:$0x0];
	_ =	sdelay $0x2  }
0xb9: {  	s31 =	sshll.u32 s1, $0xD;
	s1 =	sshrl.u32 s1, $0x2  }
0xba: {  	s3 =	sand.u32 $0x4000, s31;
	s1 =	sadd.s32 s1, s30  }
0xbb: {  	s0 =	sor.u32 s3, s0;
	s1 =	sshll.u32 s1, $0x11  }
0xbc: {  	s0 =	sor.u32 s1, s0  }
0xbd: {  	s0 =	sadd.s32 $0x8F2B, s0  }
0xbe: {  	[sflag:s0] =	ssyncadd.remote.s32 $0x1  }
0xbf: {  	_ =	sfence.sel $0xFFFF  }
0xc0: {  	[dreg:$0x0] =	wrdreg $0xFFFFFFFF;
	(pc) =	sbr.abs _section_cstart, $3  }
0xc1: {  	[dreg:$0x1] =	wrdreg $0xFFFFFFFF  }
0xc2: {  	_ =	task.clear_ibuf [dreg:s7], $0x2FFFF;
	_ =	strace $0x9FFFFFFF  }
0xc3: {  	(tm) =	ssettm $0x7FFFFFFF  }
tec
execute0_lowered:
.L_overlay_start_1:
0x0: {  	(tag) =	ssettag $0x1  }
0x1: {  	s4 =	rddreg [dreg:$0x0]  }
0x2: {  	s29 =	rddreg [dreg:$0x1]  }
0x3: {  	s0 =	srdreg.scid;
	s2 =	rddreg [dreg:$0x2]  }
0x4: {  	s3 =	simm.s32 $0x0;
	s8 =	simm.s32 $0xFA00;
	s30 =	sand.u32 $0x1, s0  }
0x5: {  	s0 =	stileid.u32;
	[smem:$0x7FF] =	sst s3;
	s1 =	sshll.u32 s30, $0x4  }
0x6: {  	s13 =	sadd.s32 $0x4E2400, s4;
	s31 =	smul.u32 $0x2800, s0;
	s12 =	sor.u32 s0, s1  }
0x7: {  	_ =	strace $0x80000047;
	s26 =	sshll.u32 s0, $0x6;
	s5 =	smul.u32 $0x2710, s12  }
0x8: {  	s6 =	sshrl.u32 s31, $0x3;
	s7 =	smul.u32 $0x4E20, s12;
	s9 =	sadd.s32 s31, s2  }
0x9: {  	s6 =	sadd.s32 s6, s4;
	s10 =	sshrl.u32 s9, $0x3;
	s5 =	sshrl.u32 s5, $0x3  }
0xa: {  	s9 =	simm.s32 $0x7;
	s28 =	sadd.s32 s5, s4;
	s4 =	sadd.s32 s13, s7  }
0xb: {  	[tilespmem:s3], [sflag:$0x1] =	stream.linear.gather [hbm4b:s4+s3], $0x7D00, $0x38;
	[tilespmem:$0x131A0] =	vst v63  }
0xc: {  	s6 =	sadd.s32 $0xA200, s6;
	s7 =	sor.u32 $0x1C07, s26;
	s5 =	sadd.s32 $0x400, s28  }
0xd: {  	[tilespmem:s8], [sflag:$0x3] =	stream.linear.gather [hbm4b:s5+s3], $0x7D0, $0x38;
	[tilespmem:$0x131A0] =	vst v63  }
0xe: {  	[spmem:s10], [sflag:s7] =	dma.local [hbm:s6], $0x500  }
0xf: {  	_ =	swait.ge [sflag:s9], $0x500  }
0x10: {  	[sflag:s9] =	ssyncset.done $0x0  }
0x11: {  	[sflag:s9] =	ssyncadd.s32 $0xFFFFFB00  }
0x12: {  	s11 =	simm.s32 $0x1;
	[bflag:$0x0] =	sbarrier.arrive $0xFFFF  }
0x13: {  	_ =	swait.ge [sflag:s11], $0x7D00  }
0x14: {  	[sflag:s11] =	ssyncset.done $0x0  }
0x15: {  	s14 =	smul.u32 $0x27100, s12;
	s12 =	simm.s32 $0x3;
	[sflag:s11] =	ssyncadd.s32 $0xFFFF8300  }
0x16: {  	_ =	swait.ge [sflag:s12], $0x7D0  }
0x17: {  	s14 =	sshrl.u32 s14, $0x3;
	[sflag:s12] =	ssyncset.done $0x0  }
0x18: {  	s26 =	sadd.s32 s13, s14;
	s13 =	simm.s32 $0x7D0;
	[sflag:s12] =	ssyncadd.s32 $0xFFFFF830  }
0x19: {  	[spmem:s2] =	stream.indirect.scatter.add.f32 [tilespmem:s3], [sflag:$0x5], $0x10, s8, s13, $0xb8;
	[tilespmem:$0x131A0] =	vst v63  }
0x1a: {  	s15 =	simm.s32 $0x7D00;
	s14 =	sadd.s32 $0xFA0, s26  }
0x1b: {  	[tilespmem:s15], [sflag:$0x2] =	stream.linear.gather [hbm4b:s14+s3], $0x7D00, $0x38;
	[tilespmem:$0x131A0] =	vst v63  }
0x1c: {  	s17 =	simm.s32 $0x101D0;
	s18 =	simm.s32 $0x2;
	s16 =	sadd.s32 $0x4FA, s28  }
0x1d: {  	[tilespmem:s17], [sflag:$0x4] =	stream.linear.gather [hbm4b:s16+s3], $0x7D0, $0x38;
	[tilespmem:$0x131A0] =	vst v63  }
0x1e: {  	_ =	swait.ge [sflag:s18], $0x7D00  }
0x1f: {  	[sflag:s18] =	ssyncset.done $0x0  }
0x20: {  	s19 =	simm.s32 $0x4;
	[sflag:s18] =	ssyncadd.s32 $0xFFFF8300  }
0x21: {  	_ =	swait.ge [sflag:s19], $0x7D0  }
0x22: {  	[sflag:s19] =	ssyncset.done $0x0  }
0x23: {  	s20 =	simm.s32 $0x5;
	[sflag:s19] =	ssyncadd.s32 $0xFFFFF830  }
0x24: {  	[spmem:s2] =	stream.indirect.scatter.add.f32 [tilespmem:s15], [sflag:$0x6], $0x10, s17, s13, $0xb8;
	[tilespmem:$0x131A0] =	vst v63  }
0x25: {  	_ =	swait.ge [sflag:s20], $0x7D00  }
0x26: {  	[sflag:s20] =	ssyncset.done $0x0  }
0x27: {  	s21 =	sadd.s32 $0x1F40, s26;
	[sflag:s20] =	ssyncadd.s32 $0xFFFF8300  }
0x28: {  	[tilespmem:s3], [sflag:$0x1] =	stream.linear.gather [hbm4b:s21+s3], $0x7D00, $0x38;
	[tilespmem:$0x131A0] =	vst v63  }
0x29: {  	s22 =	sadd.s32 $0x5F4, s28  }
0x2a: {  	[tilespmem:s8], [sflag:$0x3] =	stream.linear.gather [hbm4b:s22+s3], $0x7D0, $0x38;
	[tilespmem:$0x131A0] =	vst v63  }
0x2b: {  	_ =	swait.ge [sflag:s11], $0x7D00  }
0x2c: {  	[sflag:s11] =	ssyncset.done $0x0  }
0x2d: {  	[sflag:s11] =	ssyncadd.s32 $0xFFFF8300  }
0x2e: {  	_ =	swait.ge [sflag:s12], $0x7D0  }
0x2f: {  	[sflag:s12] =	ssyncset.done $0x0  }
0x30: {  	s23 =	simm.s32 $0x6;
	[sflag:s12] =	ssyncadd.s32 $0xFFFFF830  }
0x31: {  	[spmem:s2] =	stream.indirect.scatter.add.f32 [tilespmem:s3], [sflag:$0x5], $0x10, s8, s13, $0xb8;
	[tilespmem:$0x131A0] =	vst v63  }
0x32: {  	_ =	swait.ge [sflag:s23], $0x7D00  }
0x33: {  	[sflag:s23] =	ssyncset.done $0x0  }
0x34: {  	s24 =	sadd.s32 $0x2EE0, s26;
	[sflag:s23] =	ssyncadd.s32 $0xFFFF8300  }
0x35: {  	[tilespmem:s15], [sflag:$0x2] =	stream.linear.gather [hbm4b:s24+s3], $0x7D00, $0x38;
	[tilespmem:$0x131A0] =	vst v63  }
0x36: {  	s25 =	sadd.s32 $0x6EE, s28  }
0x37: {  	[tilespmem:s17], [sflag:$0x4] =	stream.linear.gather [hbm4b:s25+s3], $0x7D0, $0x38;
	[tilespmem:$0x131A0] =	vst v63  }
0x38: {  	_ =	swait.ge [sflag:s18], $0x7D00  }
0x39: {  	[sflag:s18] =	ssyncset.done $0x0  }
0x3a: {  	[sflag:s18] =	ssyncadd.s32 $0xFFFF8300  }
0x3b: {  	_ =	swait.ge [sflag:s19], $0x7D0  }
0x3c: {  	[sflag:s19] =	ssyncset.done $0x0  }
0x3d: {  	[sflag:s19] =	ssyncadd.s32 $0xFFFFF830  }
0x3e: {  	[spmem:s2] =	stream.indirect.scatter.add.f32 [tilespmem:s15], [sflag:$0x6], $0x10, s17, s13, $0xb8;
	[tilespmem:$0x131A0] =	vst v63  }
0x3f: {  	_ =	swait.ge [sflag:s20], $0x7D00  }
0x40: {  	[sflag:s20] =	ssyncset.done $0x0  }
0x41: {  	s26 =	sadd.s32 $0x3E80, s26;
	[sflag:s20] =	ssyncadd.s32 $0xFFFF8300  }
0x42: {  	[tilespmem:s3], [sflag:$0x1] =	stream.linear.gather [hbm4b:s26+s3], $0x7D00, $0x38;
	[tilespmem:$0x131A0] =	vst v63  }
0x43: {  	s28 =	sadd.s32 $0x7E8, s28  }
0x44: {  	[tilespmem:s8], [sflag:$0x3] =	stream.linear.gather [hbm4b:s28+s3], $0x7D0, $0x38;
	[tilespmem:$0x131A0] =	vst v63  }
0x45: {  	_ =	swait.ge [sflag:s11], $0x7D00  }
0x46: {  	[sflag:s11] =	ssyncset.done $0x0  }
0x47: {  	[sflag:s11] =	ssyncadd.s32 $0xFFFF8300  }
0x48: {  	_ =	swait.ge [sflag:s12], $0x7D0  }
0x49: {  	[sflag:s12] =	ssyncset.done $0x0  }
0x4a: {  	s1 =	smul.u32 $0x28000, s30;
	[sflag:s12] =	ssyncadd.s32 $0xFFFFF830  }
0x4b: {  	[spmem:s2] =	stream.indirect.scatter.add.f32 [tilespmem:s3], [sflag:$0x5], $0x10, s8, s13, $0xb8;
	[tilespmem:$0x131A0] =	vst v63  }
0x4c: {  	s30 =	ssub.s32 $0x2, s30;
	_ =	swait.ge [sflag:s23], $0x7D00  }
0x4d: {  	s1 =	sadd.s32 s31, s1;
	s31 =	sshrl.u32 s30, $0x1;
	[sflag:s23] =	ssyncset.done $0x0  }
0x4e: {  	s30 =	ssub.s32 s30, s31;
	[sflag:s23] =	ssyncadd.s32 $0xFFFF8300  }
0x4f: {  	s31 =	smax.u32 s30, $0x1;
	_ =	swait.ge [sflag:s20], $0x7D00  }
0x50: {  	p0 =	sne.s32 s31, $0x1;
	[sflag:s20] =	ssyncset.done $0x0  }
.Ltmp0:
0x51: {  	s1 =	sshrl.u32 s1, $0x3;
	[sflag:s20] =	ssyncadd.s32 $0xFFFF8300;
	(pc) =	sbr.rel @!p0 .LBB2_2-.Ltmp0, $4  }
0x52: {  	s29 =	sadd.s32 s29, s1;
	[bflag:$0x0] =	sbarrier.arrive $0xFFFF  }
0x53: {  	[hbm:s29], [sflag:s7] =	dma.local [spmem:s10], $0x500  }
0x54: {  	_ =	swait.ge [sflag:s9], $0x500  }
0x55: {  	s30 =	sadd.s32 $0xFFFFFFFF, s31;
	[sflag:s9] =	ssyncset.done $0x0  }
.LBB2_1:
0x56: {  	p0 =	sne.s32 s30, $0x1;
	s30 =	sadd.s32 $0xFFFFFFFF, s30;
	[sflag:s9] =	ssyncadd.s32 $0xFFFFFB00  }
0x57: {  	[tilespmem:s3], [sflag:$0x1] =	stream.linear.gather [hbm4b:s4+s3], $0x7D00, $0x38;
	[tilespmem:$0x131A0] =	vst v63  }
0x58: {  	_ = 	snop  }
0x59: {  	[tilespmem:s8], [sflag:$0x3] =	stream.linear.gather [hbm4b:s5+s3], $0x7D0, $0x38;
	[tilespmem:$0x131A0] =	vst v63  }
0x5a: {  	[spmem:s10], [sflag:s7] =	dma.local [hbm:s6], $0x500  }
0x5b: {  	_ =	swait.ge [sflag:s9], $0x500  }
0x5c: {  	[sflag:s9] =	ssyncset.done $0x0  }
0x5d: {  	[sflag:s9] =	ssyncadd.s32 $0xFFFFFB00  }
0x5e: {  	[bflag:$0x0] =	sbarrier.arrive $0xFFFF  }
0x5f: {  	_ =	swait.ge [sflag:s11], $0x7D00  }
0x60: {  	[sflag:s11] =	ssyncset.done $0x0  }
0x61: {  	[sflag:s11] =	ssyncadd.s32 $0xFFFF8300  }
0x62: {  	_ =	swait.ge [sflag:s12], $0x7D0  }
0x63: {  	[sflag:s12] =	ssyncset.done $0x0  }
0x64: {  	[sflag:s12] =	ssyncadd.s32 $0xFFFFF830  }
0x65: {  	[spmem:s2] =	stream.indirect.scatter.add.f32 [tilespmem:s3], [sflag:$0x5], $0x10, s8, s13, $0xb8;
	[tilespmem:$0x131A0] =	vst v63  }
0x66: {  	_ = 	snop  }
0x67: {  	[tilespmem:s15], [sflag:$0x2] =	stream.linear.gather [hbm4b:s14+s3], $0x7D00, $0x38;
	[tilespmem:$0x131A0] =	vst v63  }
0x68: {  	_ = 	snop  }
0x69: {  	[tilespmem:s17], [sflag:$0x4] =	stream.linear.gather [hbm4b:s16+s3], $0x7D0, $0x38;
	[tilespmem:$0x131A0] =	vst v63  }
0x6a: {  	_ =	swait.ge [sflag:s18], $0x7D00  }
0x6b: {  	[sflag:s18] =	ssyncset.done $0x0  }
0x6c: {  	[sflag:s18] =	ssyncadd.s32 $0xFFFF8300  }
0x6d: {  	_ =	swait.ge [sflag:s19], $0x7D0  }
0x6e: {  	[sflag:s19] =	ssyncset.done $0x0  }
0x6f: {  	[sflag:s19] =	ssyncadd.s32 $0xFFFFF830  }
0x70: {  	[spmem:s2] =	stream.indirect.scatter.add.f32 [tilespmem:s15], [sflag:$0x6], $0x10, s17, s13, $0xb8;
	[tilespmem:$0x131A0] =	vst v63  }
0x71: {  	_ =	swait.ge [sflag:s20], $0x7D00  }
0x72: {  	[sflag:s20] =	ssyncset.done $0x0  }
0x73: {  	[sflag:s20] =	ssyncadd.s32 $0xFFFF8300  }
0x74: {  	[tilespmem:s3], [sflag:$0x1] =	stream.linear.gather [hbm4b:s21+s3], $0x7D00, $0x38;
	[tilespmem:$0x131A0] =	vst v63  }
0x75: {  	_ = 	snop  }
0x76: {  	[tilespmem:s8], [sflag:$0x3] =	stream.linear.gather [hbm4b:s22+s3], $0x7D0, $0x38;
	[tilespmem:$0x131A0] =	vst v63  }
0x77: {  	_ =	swait.ge [sflag:s11], $0x7D00  }
0x78: {  	[sflag:s11] =	ssyncset.done $0x0  }
0x79: {  	[sflag:s11] =	ssyncadd.s32 $0xFFFF8300  }
0x7a: {  	_ =	swait.ge [sflag:s12], $0x7D0  }
0x7b: {  	[sflag:s12] =	ssyncset.done $0x0  }
0x7c: {  	[sflag:s12] =	ssyncadd.s32 $0xFFFFF830  }
0x7d: {  	[spmem:s2] =	stream.indirect.scatter.add.f32 [tilespmem:s3], [sflag:$0x5], $0x10, s8, s13, $0xb8;
	[tilespmem:$0x131A0] =	vst v63  }
0x7e: {  	_ =	swait.ge [sflag:s23], $0x7D00  }
0x7f: {  	[sflag:s23] =	ssyncset.done $0x0  }
0x80: {  	[sflag:s23] =	ssyncadd.s32 $0xFFFF8300  }
0x81: {  	[tilespmem:s15], [sflag:$0x2] =	stream.linear.gather [hbm4b:s24+s3], $0x7D00, $0x38;
	[tilespmem:$0x131A0] =	vst v63  }
0x82: {  	_ = 	snop  }
0x83: {  	[tilespmem:s17], [sflag:$0x4] =	stream.linear.gather [hbm4b:s25+s3], $0x7D0, $0x38;
	[tilespmem:$0x131A0] =	vst v63  }
0x84: {  	_ =	swait.ge [sflag:s18], $0x7D00  }
0x85: {  	[sflag:s18] =	ssyncset.done $0x0  }
0x86: {  	[sflag:s18] =	ssyncadd.s32 $0xFFFF8300  }
0x87: {  	_ =	swait.ge [sflag:s19], $0x7D0  }
0x88: {  	[sflag:s19] =	ssyncset.done $0x0  }
0x89: {  	[sflag:s19] =	ssyncadd.s32 $0xFFFFF830  }
0x8a: {  	[spmem:s2] =	stream.indirect.scatter.add.f32 [tilespmem:s15], [sflag:$0x6], $0x10, s17, s13, $0xb8;
	[tilespmem:$0x131A0] =	vst v63  }
0x8b: {  	_ =	swait.ge [sflag:s20], $0x7D00  }
0x8c: {  	[sflag:s20] =	ssyncset.done $0x0  }
0x8d: {  	[sflag:s20] =	ssyncadd.s32 $0xFFFF8300  }
0x8e: {  	[tilespmem:s3], [sflag:$0x1] =	stream.linear.gather [hbm4b:s26+s3], $0x7D00, $0x38;
	[tilespmem:$0x131A0] =	vst v63  }
0x8f: {  	_ = 	snop  }
0x90: {  	[tilespmem:s8], [sflag:$0x3] =	stream.linear.gather [hbm4b:s28+s3], $0x7D0, $0x38;
	[tilespmem:$0x131A0] =	vst v63  }
0x91: {  	_ =	swait.ge [sflag:s11], $0x7D00  }
0x92: {  	[sflag:s11] =	ssyncset.done $0x0  }
0x93: {  	[sflag:s11] =	ssyncadd.s32 $0xFFFF8300  }
0x94: {  	_ =	swait.ge [sflag:s12], $0x7D0  }
0x95: {  	[sflag:s12] =	ssyncset.done $0x0  }
0x96: {  	[sflag:s12] =	ssyncadd.s32 $0xFFFFF830  }
0x97: {  	[spmem:s2] =	stream.indirect.scatter.add.f32 [tilespmem:s3], [sflag:$0x5], $0x10, s8, s13, $0xb8;
	[tilespmem:$0x131A0] =	vst v63  }
0x98: {  	_ =	swait.ge [sflag:s23], $0x7D00  }
0x99: {  	[sflag:s23] =	ssyncset.done $0x0  }
0x9a: {  	[sflag:s23] =	ssyncadd.s32 $0xFFFF8300  }
0x9b: {  	_ =	swait.ge [sflag:s20], $0x7D00  }
0x9c: {  	[sflag:s20] =	ssyncset.done $0x0  }
.Ltmp1:
0x9d: {  	[sflag:s20] =	ssyncadd.s32 $0xFFFF8300;
	(pc) =	sbr.rel @p0 .LBB2_1-.Ltmp1, $4  }
0x9e: {  	[bflag:$0x0] =	sbarrier.arrive $0xFFFF  }
0x9f: {  	[hbm:s29], [sflag:s7] =	dma.local [spmem:s10], $0x500  }
0xa0: {  	_ =	swait.ge [sflag:s9], $0x500  }
0xa1: {  	[sflag:s9] =	ssyncset.done $0x0  }
.LBB2_2:
0xa2: {  	[sflag:s9] =	ssyncadd.s32 $0xFFFFFB00  }
0xa3: {  	_ =	sfence.sel $0x180000  }
0xa4: {  	[bflag:$0x0] =	sbarrier.arrive $0xFFFF  }
0xa5: {  	_ =	strace $0x90000047  }
0xa6: {  	[bflag:$0x2] =	sbarrier.arrive $0xFFFF  }
0xa7: {  	p0 =	sne.s32 s0, $0x0;
	s0 =	rddreg [dreg:$0x3]  }
0xa8: {  	s0 =	sadd.s32 @!p0 $0x100000, s0  }
0xa9: {  	[sflag:s0] =	ssyncadd.tile.s32 @!p0 $0x1;
	_ =	shalt  }
.Lfunc_end2:
_tile_overlayer_lowered:
.L_overlay_start_2:
0xaa: {  	(tag) =	ssettag $0x2  }
0xab: {  	s0 =	rddreg [dreg:$0x0];
	s2 =	stileid.u32  }
0xac: {  	s1 =	rddreg [dreg:$0x1];
	p0 =	sne.s32 s2, $0x0  }
0xad: {  	s3 =	rddreg [dreg:$0x2];
	[bflag:$0x3] =	sbarrier.arrive $0xFFFF;
	s2 =	simm.s32 @!p0 $0x1C07  }
0xae: {  	[timem:s3], [sflag:s2] =	dma.local @!p0 [hbm:s0], s1  }
0xaf: {  	s0 =	simm.s32 @!p0 $0x7  }
0xb0: {  	_ =	swait.ge @!p0 [sflag:s0], s1  }
0xb1: {  	s1 =	ssub.s32 @!p0 $0x0, s1;
	[sflag:s0] =	ssyncset.done @!p0 $0x0  }
0xb2: {  	[sflag:s0] =	ssyncadd.s32 @!p0 s1  }
0xb3: {  	[bflag:$0x3] =	sbarrier.arrive $0xFFFF  }
0xb4: {  	_ =	shalt  }

</sc_bundles>
